<compile_context>
chip_gen: v7x
topology: tpu7x:2x2x1
jax: 0.10.2.dev20260603
libtpu: 0.0.44.dev20260713+nightly
codegen_flags: <defaults>
</compile_context>

<pallas_src>
import jax
import jax.numpy as jnp
from jax import lax
from jax.experimental import pallas as pl
from jax.experimental.pallas import tpu as pltpu
from jax.experimental.pallas import tpu_sc as plsc

MAX_STEPS_C = 10000
NUM_ENVS_C = 32
OBS_DIM_C = 128
ACT_DIM_C = 32

NC, NS = 2, 16
NW = NC * NS

CH_OBS = 500
NB_OBS = MAX_STEPS_C // CH_OBS
ACT_ROW = NUM_ENVS_C * ACT_DIM_C
ACT_TOT = MAX_STEPS_C * ACT_ROW
ACT_CHF = 1250 * ACT_ROW
NB_ACT = ACT_TOT // ACT_CHF

REW_CH = 200
REW_NC = MAX_STEPS_C // REW_CH


def _tc_main_body(pos_ref, obs_ref, act_ref, nxt_ref, rew_ref, done_ref,
                  obs_out, act_out, nxt_out, rew_out, done_out,
                  zbig, zact, zrew, semz, semr):
    zbig[...] = jnp.zeros_like(zbig)
    zact[...] = jnp.zeros_like(zact)
    zrew[...] = jnp.zeros_like(zrew)
    pltpu.make_async_copy(zrew, rew_out, semz).start()
    pltpu.make_async_copy(zrew, done_out, semz).start()

    @pl.loop(0, NB_OBS)
    def _(k):
        pltpu.make_async_copy(zbig, obs_out.at[pl.ds(k * CH_OBS, CH_OBS)],
                              semz).start()
        pltpu.make_async_copy(zbig, nxt_out.at[pl.ds(k * CH_OBS, CH_OBS)],
                              semz).start()

    @pl.loop(0, NB_ACT)
    def _(k):
        pltpu.make_async_copy(zact, act_out.at[pl.ds(k * ACT_CHF, ACT_CHF)],
                              semz).start()

    @pl.loop(0, NB_OBS)
    def _(k):
        pltpu.make_async_copy(zbig, obs_out.at[pl.ds(k * CH_OBS, CH_OBS)],
                              semz).wait()
        pltpu.make_async_copy(zbig, nxt_out.at[pl.ds(k * CH_OBS, CH_OBS)],
                              semz).wait()

    @pl.loop(0, NB_ACT)
    def _(k):
        pltpu.make_async_copy(zact, act_out.at[pl.ds(k * ACT_CHF, ACT_CHF)],
                              semz).wait()

    pltpu.make_async_copy(zrew, rew_out, semz).wait()
    pltpu.make_async_copy(zrew, done_out, semz).wait()

    p = pos_ref[0]
    c1 = pltpu.make_async_copy(obs_ref, obs_out.at[pl.ds(p, 1)], semr)
    c2 = pltpu.make_async_copy(act_ref,
                               act_out.at[pl.ds(p * ACT_ROW, ACT_ROW)], semr)
    c3 = pltpu.make_async_copy(nxt_ref, nxt_out.at[pl.ds(p, 1)], semr)
    c4 = pltpu.make_async_copy(rew_ref, rew_out.at[pl.ds(p, 1)], semr)
    c5 = pltpu.make_async_copy(done_ref, done_out.at[pl.ds(p, 1)], semr)
    c1.start()
    c2.start()
    c3.start()
    c4.start()
    c5.start()
    c1.wait()
    c2.wait()
    c3.wait()
    c4.wait()
    c5.wait()


def _tc_main(pos_arr, obs3d, act_flat, nxt3d, rew2d, done2d,
             max_steps, num_envs, obs_dim):
    return pl.pallas_call(
        _tc_main_body,
        in_specs=[
            pl.BlockSpec(memory_space=pltpu.MemorySpace.SMEM),
            pl.BlockSpec(memory_space=pltpu.MemorySpace.VMEM),
            pl.BlockSpec(memory_space=pltpu.MemorySpace.VMEM),
            pl.BlockSpec(memory_space=pltpu.MemorySpace.VMEM),
            pl.BlockSpec(memory_space=pltpu.MemorySpace.VMEM),
            pl.BlockSpec(memory_space=pltpu.MemorySpace.VMEM),
        ],
        out_specs=[
            pl.BlockSpec(memory_space=pl.ANY),
            pl.BlockSpec(memory_space=pl.ANY),
            pl.BlockSpec(memory_space=pl.ANY),
            pl.BlockSpec(memory_space=pl.ANY),
            pl.BlockSpec(memory_space=pl.ANY),
        ],
        out_shape=[
            jax.ShapeDtypeStruct((max_steps, num_envs, obs_dim), jnp.float32),
            jax.ShapeDtypeStruct((ACT_TOT,), jnp.float32),
            jax.ShapeDtypeStruct((max_steps, num_envs, obs_dim), jnp.float32),
            jax.ShapeDtypeStruct((max_steps, num_envs), jnp.float32),
            jax.ShapeDtypeStruct((max_steps, num_envs), jnp.float32),
        ],
        scratch_shapes=[
            pltpu.VMEM((CH_OBS, num_envs, obs_dim), jnp.float32),
            pltpu.VMEM((ACT_CHF,), jnp.float32),
            pltpu.VMEM((max_steps, num_envs), jnp.float32),
            pltpu.SemaphoreType.DMA,
            pltpu.SemaphoreType.DMA,
        ],
    )(pos_arr, obs3d, act_flat, nxt3d, rew2d, done2d)


def _sc_body(rew_out, done_out, zrew, sem):
    wid = lax.axis_index("s") * NC + lax.axis_index("c")

    zeros16 = jnp.zeros((16,), jnp.float32)

    @pl.loop(0, REW_CH)
    def _(r):
        for u in range(NUM_ENVS_C // 16):
            zrew[r, pl.ds(16 * u, 16)] = zeros16

    niter = (REW_NC + NW - 1) // NW

    @pl.loop(0, niter)
    def _(j):
        c = wid + NW * j

        @pl.when(c < REW_NC)
        def _():
            pltpu.async_copy(zrew, rew_out.at[pl.ds(c * REW_CH, REW_CH)], sem)
            pltpu.async_copy(zrew, done_out.at[pl.ds(c * REW_CH, REW_CH)],
                             sem)

    @pl.loop(0, niter)
    def _(j):
        c = wid + NW * j

        @pl.when(c < REW_NC)
        def _():
            pltpu.make_async_copy(zrew, rew_out.at[pl.ds(c * REW_CH, REW_CH)],
                                  sem).wait()
            pltpu.make_async_copy(zrew,
                                  done_out.at[pl.ds(c * REW_CH, REW_CH)],
                                  sem).wait()


def _sc_fill():
    mesh = plsc.VectorSubcoreMesh(core_axis_name="c", subcore_axis_name="s")
    f = pl.kernel(
        _sc_body,
        mesh=mesh,
        out_type=[
            jax.ShapeDtypeStruct((MAX_STEPS_C, NUM_ENVS_C), jnp.float32),
            jax.ShapeDtypeStruct((MAX_STEPS_C, NUM_ENVS_C), jnp.float32),
        ],
        scratch_types=[
            pltpu.VMEM((REW_CH, NUM_ENVS_C), jnp.float32),
            pltpu.SemaphoreType.DMA,
        ],
    )
    return f()


def _tc_rows_body(pos_ref, rewrow, donerow, rew_in, done_in,
                  rew_io, done_io, semr):
    p = pos_ref[0]
    c1 = pltpu.make_async_copy(rewrow, rew_io.at[pl.ds(p, 1)], semr)
    c2 = pltpu.make_async_copy(donerow, done_io.at[pl.ds(p, 1)], semr)
    c1.start()
    c2.start()
    c1.wait()
    c2.wait()


def _tc_rows(pos_arr, rewrow, donerow, rew_z, done_z):
    return pl.pallas_call(
        _tc_rows_body,
        in_specs=[
            pl.BlockSpec(memory_space=pltpu.MemorySpace.SMEM),
            pl.BlockSpec(memory_space=pltpu.MemorySpace.VMEM),
            pl.BlockSpec(memory_space=pltpu.MemorySpace.VMEM),
            pl.BlockSpec(memory_space=pl.ANY),
            pl.BlockSpec(memory_space=pl.ANY),
        ],
        out_specs=[
            pl.BlockSpec(memory_space=pl.ANY),
            pl.BlockSpec(memory_space=pl.ANY),
        ],
        out_shape=[
            jax.ShapeDtypeStruct((MAX_STEPS_C, NUM_ENVS_C), jnp.float32),
            jax.ShapeDtypeStruct((MAX_STEPS_C, NUM_ENVS_C), jnp.float32),
        ],
        input_output_aliases={3: 0, 4: 1},
        scratch_shapes=[pltpu.SemaphoreType.DMA],
    )(pos_arr, rewrow, donerow, rew_z, done_z)


def kernel(obs, action, reward, next_obs, done, obs_buf, act_buf, rew_buf,
           next_buf, done_buf, pos, full):
    max_steps, num_envs, obs_dim = obs_buf.shape
    act_dim = act_buf.shape[2]
    p = jnp.asarray(pos, dtype=jnp.int32)
    done_f32 = done.astype(jnp.float32)
    pos_arr = p.reshape(1)

    new_obs, act_flat, new_next, new_rew, new_done = _tc_main(
        pos_arr, obs[None], action.reshape(-1), next_obs[None],
        reward.reshape(1, num_envs), done_f32.reshape(1, num_envs),
        max_steps, num_envs, obs_dim)
    new_act = act_flat.reshape(max_steps, num_envs, act_dim)

    next_pos = p + 1
    new_full = jnp.logical_or(jnp.asarray(full, dtype=jnp.bool_),
                              next_pos == max_steps)
    new_pos = next_pos % max_steps
    return (new_obs, new_act, new_rew, new_next, new_done, new_pos, new_full)

# --- scband reference (transcript-rebuilt; emitter-appended) ---
"""Pipeline reference for scband-vector-replay-buffer-44152263803214 (READ-ONLY COPY).

The authoritative reference and input builder live on the scoring server;
editing this copy changes nothing except your own understanding.
"""

import jax, jax.numpy as jnp
import numpy as np

MAX_STEPS = 10000
NUM_ENVS = 32
OBS_DIM = 128
ACT_DIM = 32


def setup_inputs(seed: int = 0) -> dict:
    key = jax.random.key(seed)
    k = jax.random.split(key, 6)
    inp = {
        "obs": jax.random.normal(k[0], (NUM_ENVS, OBS_DIM), dtype=jnp.float32),
        "action": jax.random.normal(k[1], (NUM_ENVS, ACT_DIM), dtype=jnp.float32),
        "reward": jax.random.normal(k[2], (NUM_ENVS,), dtype=jnp.float32),
        "next_obs": jax.random.normal(k[3], (NUM_ENVS, OBS_DIM), dtype=jnp.float32),
        "done": (jax.random.uniform(k[4], (NUM_ENVS,)) > 0.9).astype(jnp.float32),
        # buffer state (module parameters / fields)
        "obs_buf": jnp.zeros((MAX_STEPS, NUM_ENVS, OBS_DIM), dtype=jnp.float32),
        "act_buf": jnp.zeros((MAX_STEPS, NUM_ENVS, ACT_DIM), dtype=jnp.float32),
        "rew_buf": jnp.zeros((MAX_STEPS, NUM_ENVS), dtype=jnp.float32),
        "next_buf": jnp.zeros((MAX_STEPS, NUM_ENVS, OBS_DIM), dtype=jnp.float32),
        "done_buf": jnp.zeros((MAX_STEPS, NUM_ENVS), dtype=jnp.float32),
        "pos": 4321,
        "full": False,
    }
    return inp


def reference(obs, action, reward, next_obs, done, obs_buf, act_buf, rew_buf, next_buf, done_buf, pos, full):
    # Faithful translation of VectorReplayBuffer.add
    done_f = done.astype(jnp.float32)
    p = jnp.asarray(pos, dtype=jnp.int32)
    z = jnp.int32(0)
    new_obs = jax.lax.dynamic_update_slice(obs_buf, obs[None, ...], (p, z, z))
    new_act = jax.lax.dynamic_update_slice(act_buf, action[None, ...], (p, z, z))
    new_rew = jax.lax.dynamic_update_slice(rew_buf, reward[None, ...], (p, z))
    new_next = jax.lax.dynamic_update_slice(next_buf, next_obs[None, ...], (p, z, z))
    new_done = jax.lax.dynamic_update_slice(done_buf, done_f[None, ...], (p, z))
    next_pos = p + 1
    new_full = jnp.logical_or(jnp.asarray(full, dtype=jnp.bool_), next_pos == MAX_STEPS)
    new_pos = next_pos % MAX_STEPS
    return (new_obs, new_act, new_rew, new_next, new_done, new_pos, new_full)

if __name__ == "__main__":
    import jax
    _d = setup_inputs()
    print(jax.jit(kernel)(*tuple(_d.values())))

</pallas_src>

<mosaic_0001>
module attributes {stable_mosaic.version = 14 : i64} {
  func.func @_tc_main_body(%arg0: memref<1xi32, #tpu.memory_space<smem>>, %arg1: memref<1x32x128xf32, #tpu.memory_space<vmem>>, %arg2: memref<1024xf32, #tpu.memory_space<vmem>>, %arg3: memref<1x32x128xf32, #tpu.memory_space<vmem>>, %arg4: memref<1x32xf32, #tpu.memory_space<vmem>>, %arg5: memref<1x32xf32, #tpu.memory_space<vmem>>, %arg6: memref<10000x32x128xf32, #tpu.memory_space<any>>, %arg7: memref<10240000xf32, #tpu.memory_space<any>>, %arg8: memref<10000x32x128xf32, #tpu.memory_space<any>>, %arg9: memref<10000x32xf32, #tpu.memory_space<any>>, %arg10: memref<10000x32xf32, #tpu.memory_space<any>>, %arg11: memref<500x32x128xf32, #tpu.memory_space<vmem>>, %arg12: memref<1280000xf32, #tpu.memory_space<vmem>>, %arg13: memref<10000x32xf32, #tpu.memory_space<vmem>>, %arg14: memref<!tpu.dma_semaphore, #tpu.memory_space<semaphore_mem>>, %arg15: memref<!tpu.dma_semaphore, #tpu.memory_space<semaphore_mem>>) attributes {dimension_semantics = [], scalar_prefetch = 0 : i64, scratch_operands = 5 : i64, tpu.core_type = #tpu.core_type<tc>} {
    %broadcast_in_dim3A = arith.constant 0.000000e+00 : f32
    %broadcast_in_dim3A_0 = vector.broadcast %broadcast_in_dim3A : f32 to vector<500x32x128xf32>
    %swap3A = arith.constant 0 : index
    %swap3A_1 = arith.constant 0 : index
    %swap3A_2 = arith.constant 0 : index
    %swap3A_3 = vector.load %arg11[%swap3A, %swap3A_1, %swap3A_2] : memref<500x32x128xf32, #tpu.memory_space<vmem>>, vector<500x32x128xf32>
    tpu.vector_store %arg11[%swap3A, %swap3A_1, %swap3A_2], %broadcast_in_dim3A_0 {strides = array<i32>} : memref<500x32x128xf32, #tpu.memory_space<vmem>>, vector<500x32x128xf32>,
    %broadcast_in_dim3A_4 = arith.constant 0.000000e+00 : f32
    %broadcast_in_dim3A_5 = vector.broadcast %broadcast_in_dim3A_4 : f32 to vector<1280000xf32>
    %swap3A_6 = arith.constant 0 : index
    %swap3A_7 = vector.load %arg12[%swap3A_6] : memref<1280000xf32, #tpu.memory_space<vmem>>, vector<1280000xf32>
    tpu.vector_store %arg12[%swap3A_6], %broadcast_in_dim3A_5 {strides = array<i32>} : memref<1280000xf32, #tpu.memory_space<vmem>>, vector<1280000xf32>,
    %broadcast_in_dim3A_8 = arith.constant 0.000000e+00 : f32
    %broadcast_in_dim3A_9 = vector.broadcast %broadcast_in_dim3A_8 : f32 to vector<10000x32xf32>
    %swap3A_10 = arith.constant 0 : index
    %swap3A_11 = arith.constant 0 : index
    %swap3A_12 = vector.load %arg13[%swap3A_10, %swap3A_11] : memref<10000x32xf32, #tpu.memory_space<vmem>>, vector<10000x32xf32>
    tpu.vector_store %arg13[%swap3A_10, %swap3A_11], %broadcast_in_dim3A_9 {strides = array<i32>} : memref<10000x32xf32, #tpu.memory_space<vmem>>, vector<10000x32xf32>,
    tpu.enqueue_dma source(%arg13 : memref<10000x32xf32, #tpu.memory_space<vmem>>) target(%arg9 : memref<10000x32xf32, #tpu.memory_space<any>>) target_semaphore(%arg14 : memref<!tpu.dma_semaphore, #tpu.memory_space<semaphore_mem>>)
    tpu.enqueue_dma source(%arg13 : memref<10000x32xf32, #tpu.memory_space<vmem>>) target(%arg10 : memref<10000x32xf32, #tpu.memory_space<any>>) target_semaphore(%arg14 : memref<!tpu.dma_semaphore, #tpu.memory_space<semaphore_mem>>)
    %scan3A = arith.constant 0 : i32
    %scan3A_13 = arith.constant 20 : i32
    %scan3A_14 = arith.addi %scan3A, %scan3A_13 : i32
    %scan3A_15 = arith.constant 1 : i32
    scf.for %scan3A_54 = %scan3A to %scan3A_14 step %scan3A_15  : i32 {
      %mul3A_55 = arith.constant 1 : i32
      %mul3A_56 = arith.muli %scan3A_54, %mul3A_55 : i32
      %add3A = arith.constant 0 : i32
      %add3A_57 = arith.addi %add3A, %mul3A_56 : i32
      %mul3A_58 = arith.constant 500 : i32
      %mul3A_59 = arith.muli %add3A_57, %mul3A_58 : i32
      %dma_start3A_60 = arith.constant 0 : i32
      %dma_start3A_61 = arith.constant 0 : i32
      %dma_start3A_62 = tpu.memref_slice %arg6[%mul3A_59, %dma_start3A_60, %dma_start3A_61] : memref<10000x32x128xf32, #tpu.memory_space<any>> -> memref<500x32x128xf32, #tpu.memory_space<any>>
      tpu.enqueue_dma source(%arg11 : memref<500x32x128xf32, #tpu.memory_space<vmem>>) target(%dma_start3A_62 : memref<500x32x128xf32, #tpu.memory_space<any>>) target_semaphore(%arg14 : memref<!tpu.dma_semaphore, #tpu.memory_space<semaphore_mem>>)
      %mul3A_63 = arith.constant 500 : i32
      %mul3A_64 = arith.muli %add3A_57, %mul3A_63 : i32
      %dma_start3A_65 = arith.constant 0 : i32
      %dma_start3A_66 = arith.constant 0 : i32
      %dma_start3A_67 = tpu.memref_slice %arg8[%mul3A_64, %dma_start3A_65, %dma_start3A_66] : memref<10000x32x128xf32, #tpu.memory_space<any>> -> memref<500x32x128xf32, #tpu.memory_space<any>>
      tpu.enqueue_dma source(%arg11 : memref<500x32x128xf32, #tpu.memory_space<vmem>>) target(%dma_start3A_67 : memref<500x32x128xf32, #tpu.memory_space<any>>) target_semaphore(%arg14 : memref<!tpu.dma_semaphore, #tpu.memory_space<semaphore_mem>>)
    }
    %scan3A_16 = arith.constant 20 : i32
    %scan3A_17 = arith.constant 0 : i32
    %scan3A_18 = arith.constant 8 : i32
    %scan3A_19 = arith.addi %scan3A_17, %scan3A_18 : i32
    %scan3A_20 = arith.constant 1 : i32
    scf.for %scan3A_54 = %scan3A_17 to %scan3A_19 step %scan3A_20  : i32 {
      %mul3A_55 = arith.constant 1 : i32
      %mul3A_56 = arith.muli %scan3A_54, %mul3A_55 : i32
      %add3A = arith.constant 0 : i32
      %add3A_57 = arith.addi %add3A, %mul3A_56 : i32
      %mul3A_58 = arith.constant 1280000 : i32
      %mul3A_59 = arith.muli %add3A_57, %mul3A_58 : i32
      %dma_start3A_60 = tpu.memref_slice %arg7[%mul3A_59] : memref<10240000xf32, #tpu.memory_space<any>> -> memref<1280000xf32, #tpu.memory_space<any>>
      tpu.enqueue_dma source(%arg12 : memref<1280000xf32, #tpu.memory_space<vmem>>) target(%dma_start3A_60 : memref<1280000xf32, #tpu.memory_space<any>>) target_semaphore(%arg14 : memref<!tpu.dma_semaphore, #tpu.memory_space<semaphore_mem>>)
    }
    %scan3A_21 = arith.constant 8 : i32
    %scan3A_22 = arith.constant 0 : i32
    %scan3A_23 = arith.constant 20 : i32
    %scan3A_24 = arith.addi %scan3A_22, %scan3A_23 : i32
    %scan3A_25 = arith.constant 1 : i32
    scf.for %scan3A_54 = %scan3A_22 to %scan3A_24 step %scan3A_25  : i32 {
      %mul3A_55 = arith.constant 1 : i32
      %mul3A_56 = arith.muli %scan3A_54, %mul3A_55 : i32
      %add3A = arith.constant 0 : i32
      %add3A_57 = arith.addi %add3A, %mul3A_56 : i32
      %mul3A_58 = arith.constant 500 : i32
      %mul3A_59 = arith.muli %add3A_57, %mul3A_58 : i32
      %dma_wait3A_60 = arith.constant 0 : i32
      %dma_wait3A_61 = arith.constant 0 : i32
      %dma_wait3A_62 = tpu.memref_slice %arg6[%mul3A_59, %dma_wait3A_60, %dma_wait3A_61] : memref<10000x32x128xf32, #tpu.memory_space<any>> -> memref<500x32x128xf32, #tpu.memory_space<any>>
      tpu.wait_dma2 semaphore(%arg14 : memref<!tpu.dma_semaphore, #tpu.memory_space<semaphore_mem>>) src(%arg11 : memref<500x32x128xf32, #tpu.memory_space<vmem>>) dst(%dma_wait3A_62 : memref<500x32x128xf32, #tpu.memory_space<any>>)
      %mul3A_63 = arith.constant 500 : i32
      %mul3A_64 = arith.muli %add3A_57, %mul3A_63 : i32
      %dma_wait3A_65 = arith.constant 0 : i32
      %dma_wait3A_66 = arith.constant 0 : i32
      %dma_wait3A_67 = tpu.memref_slice %arg8[%mul3A_64, %dma_wait3A_65, %dma_wait3A_66] : memref<10000x32x128xf32, #tpu.memory_space<any>> -> memref<500x32x128xf32, #tpu.memory_space<any>>
      tpu.wait_dma2 semaphore(%arg14 : memref<!tpu.dma_semaphore, #tpu.memory_space<semaphore_mem>>) src(%arg11 : memref<500x32x128xf32, #tpu.memory_space<vmem>>) dst(%dma_wait3A_67 : memref<500x32x128xf32, #tpu.memory_space<any>>)
    }
    %scan3A_26 = arith.constant 20 : i32
    %scan3A_27 = arith.constant 0 : i32
    %scan3A_28 = arith.constant 8 : i32
    %scan3A_29 = arith.addi %scan3A_27, %scan3A_28 : i32
    %scan3A_30 = arith.constant 1 : i32
    scf.for %scan3A_54 = %scan3A_27 to %scan3A_29 step %scan3A_30  : i32 {
      %mul3A_55 = arith.constant 1 : i32
      %mul3A_56 = arith.muli %scan3A_54, %mul3A_55 : i32
      %add3A = arith.constant 0 : i32
      %add3A_57 = arith.addi %add3A, %mul3A_56 : i32
      %mul3A_58 = arith.constant 1280000 : i32
      %mul3A_59 = arith.muli %add3A_57, %mul3A_58 : i32
      %dma_wait3A_60 = tpu.memref_slice %arg7[%mul3A_59] : memref<10240000xf32, #tpu.memory_space<any>> -> memref<1280000xf32, #tpu.memory_space<any>>
      tpu.wait_dma2 semaphore(%arg14 : memref<!tpu.dma_semaphore, #tpu.memory_space<semaphore_mem>>) src(%arg12 : memref<1280000xf32, #tpu.memory_space<vmem>>) dst(%dma_wait3A_60 : memref<1280000xf32, #tpu.memory_space<any>>)
    }
    %scan3A_31 = arith.constant 8 : i32
    tpu.wait_dma2 semaphore(%arg14 : memref<!tpu.dma_semaphore, #tpu.memory_space<semaphore_mem>>) src(%arg13 : memref<10000x32xf32, #tpu.memory_space<vmem>>) dst(%arg9 : memref<10000x32xf32, #tpu.memory_space<any>>)
    tpu.wait_dma2 semaphore(%arg14 : memref<!tpu.dma_semaphore, #tpu.memory_space<semaphore_mem>>) src(%arg13 : memref<10000x32xf32, #tpu.memory_space<vmem>>) dst(%arg10 : memref<10000x32xf32, #tpu.memory_space<any>>)
    %get3A = arith.constant 0 : index
    %get3A_32 = memref.load %arg0[%get3A] : memref<1xi32, #tpu.memory_space<smem>>
    %mul3A = arith.constant 1024 : i32
    %mul3A_33 = arith.muli %get3A_32, %mul3A : i32
    %dma_start3A = arith.constant 0 : i32
    %dma_start3A_34 = arith.constant 0 : i32
    %dma_start3A_35 = tpu.memref_slice %arg6[%get3A_32, %dma_start3A, %dma_start3A_34] : memref<10000x32x128xf32, #tpu.memory_space<any>> -> memref<1x32x128xf32, #tpu.memory_space<any>>
    tpu.enqueue_dma source(%arg1 : memref<1x32x128xf32, #tpu.memory_space<vmem>>) target(%dma_start3A_35 : memref<1x32x128xf32, #tpu.memory_space<any>>) target_semaphore(%arg15 : memref<!tpu.dma_semaphore, #tpu.memory_space<semaphore_mem>>)
    %dma_start3A_36 = tpu.memref_slice %arg7[%mul3A_33] : memref<10240000xf32, #tpu.memory_space<any>> -> memref<1024xf32, #tpu.memory_space<any>>
    tpu.enqueue_dma source(%arg2 : memref<1024xf32, #tpu.memory_space<vmem>>) target(%dma_start3A_36 : memref<1024xf32, #tpu.memory_space<any>>) target_semaphore(%arg15 : memref<!tpu.dma_semaphore, #tpu.memory_space<semaphore_mem>>)
    %dma_start3A_37 = arith.constant 0 : i32
    %dma_start3A_38 = arith.constant 0 : i32
    %dma_start3A_39 = tpu.memref_slice %arg8[%get3A_32, %dma_start3A_37, %dma_start3A_38] : memref<10000x32x128xf32, #tpu.memory_space<any>> -> memref<1x32x128xf32, #tpu.memory_space<any>>
    tpu.enqueue_dma source(%arg3 : memref<1x32x128xf32, #tpu.memory_space<vmem>>) target(%dma_start3A_39 : memref<1x32x128xf32, #tpu.memory_space<any>>) target_semaphore(%arg15 : memref<!tpu.dma_semaphore, #tpu.memory_space<semaphore_mem>>)
    %dma_start3A_40 = arith.constant 0 : i32
    %dma_start3A_41 = tpu.memref_slice %arg9[%get3A_32, %dma_start3A_40] : memref<10000x32xf32, #tpu.memory_space<any>> -> memref<1x32xf32, #tpu.memory_space<any>>
    tpu.enqueue_dma source(%arg4 : memref<1x32xf32, #tpu.memory_space<vmem>>) target(%dma_start3A_41 : memref<1x32xf32, #tpu.memory_space<any>>) target_semaphore(%arg15 : memref<!tpu.dma_semaphore, #tpu.memory_space<semaphore_mem>>)
    %dma_start3A_42 = arith.constant 0 : i32
    %dma_start3A_43 = tpu.memref_slice %arg10[%get3A_32, %dma_start3A_42] : memref<10000x32xf32, #tpu.memory_space<any>> -> memref<1x32xf32, #tpu.memory_space<any>>
    tpu.enqueue_dma source(%arg5 : memref<1x32xf32, #tpu.memory_space<vmem>>) target(%dma_start3A_43 : memref<1x32xf32, #tpu.memory_space<any>>) target_semaphore(%arg15 : memref<!tpu.dma_semaphore, #tpu.memory_space<semaphore_mem>>)
    %dma_wait3A = arith.constant 0 : i32
    %dma_wait3A_44 = arith.constant 0 : i32
    %dma_wait3A_45 = tpu.memref_slice %arg6[%get3A_32, %dma_wait3A, %dma_wait3A_44] : memref<10000x32x128xf32, #tpu.memory_space<any>> -> memref<1x32x128xf32, #tpu.memory_space<any>>
    tpu.wait_dma2 semaphore(%arg15 : memref<!tpu.dma_semaphore, #tpu.memory_space<semaphore_mem>>) src(%arg1 : memref<1x32x128xf32, #tpu.memory_space<vmem>>) dst(%dma_wait3A_45 : memref<1x32x128xf32, #tpu.memory_space<any>>)
    %dma_wait3A_46 = tpu.memref_slice %arg7[%mul3A_33] : memref<10240000xf32, #tpu.memory_space<any>> -> memref<1024xf32, #tpu.memory_space<any>>
    tpu.wait_dma2 semaphore(%arg15 : memref<!tpu.dma_semaphore, #tpu.memory_space<semaphore_mem>>) src(%arg2 : memref<1024xf32, #tpu.memory_space<vmem>>) dst(%dma_wait3A_46 : memref<1024xf32, #tpu.memory_space<any>>)
    %dma_wait3A_47 = arith.constant 0 : i32
    %dma_wait3A_48 = arith.constant 0 : i32
    %dma_wait3A_49 = tpu.memref_slice %arg8[%get3A_32, %dma_wait3A_47, %dma_wait3A_48] : memref<10000x32x128xf32, #tpu.memory_space<any>> -> memref<1x32x128xf32, #tpu.memory_space<any>>
    tpu.wait_dma2 semaphore(%arg15 : memref<!tpu.dma_semaphore, #tpu.memory_space<semaphore_mem>>) src(%arg3 : memref<1x32x128xf32, #tpu.memory_space<vmem>>) dst(%dma_wait3A_49 : memref<1x32x128xf32, #tpu.memory_space<any>>)
    %dma_wait3A_50 = arith.constant 0 : i32
    %dma_wait3A_51 = tpu.memref_slice %arg9[%get3A_32, %dma_wait3A_50] : memref<10000x32xf32, #tpu.memory_space<any>> -> memref<1x32xf32, #tpu.memory_space<any>>
    tpu.wait_dma2 semaphore(%arg15 : memref<!tpu.dma_semaphore, #tpu.memory_space<semaphore_mem>>) src(%arg4 : memref<1x32xf32, #tpu.memory_space<vmem>>) dst(%dma_wait3A_51 : memref<1x32xf32, #tpu.memory_space<any>>)
    %dma_wait3A_52 = arith.constant 0 : i32
    %dma_wait3A_53 = tpu.memref_slice %arg10[%get3A_32, %dma_wait3A_52] : memref<10000x32xf32, #tpu.memory_space<any>> -> memref<1x32xf32, #tpu.memory_space<any>>
    tpu.wait_dma2 semaphore(%arg15 : memref<!tpu.dma_semaphore, #tpu.memory_space<semaphore_mem>>) src(%arg5 : memref<1x32xf32, #tpu.memory_space<vmem>>) dst(%dma_wait3A_53 : memref<1x32xf32, #tpu.memory_space<any>>)
    return
  }
}

</mosaic_0001>

<sc_bundles>
// kernel: sparse-core-data-format-call.cloned.1.call-start
scs
called_computation_lowered:
.L_overlay_start_0:
0x0: {  	s2 =	sld [smem:$0x3FD9]  }
0x1: {  	s3 =	sld [smem:$0x3FFE];
	_ =	sdelay $0x1  }
0x2: {  	s1 =	srdreg.scid  }
0x3: {  	s0 =	sand.u32 $0x1, s1  }
0x4: {  	s15 =	sshll.u32 s0, $0xA;
	s2 =	sadd.s32 s3, s2  }
0x5: {  	s2 =	sadd.s32 s2, s15  }
0x6: {  	[smem:$0x3FC1] =	sst s2  }
0x7: {  	_ = 	snop  }
0x8: {  	s2 =	sld [smem:$0x3FD0];
	_ =	sdelay $0x2  }
0x9: {  	s16 =	simm.s32 $0xA;
	s4 =	simm.s32 $0x10  }
0xa: {  	[smem:s4], [sflag:s16] =	dma.local [hbm:s2], $0x1  }
0xb: {  	_ =	swait.eq [sflag:s16], $0x1  }
0xc: {  	[sflag:s16] =	ssyncset.done $0x0  }
0xd: {  	[sflag:s16] =	ssyncadd.s32 $0xFFFFFFFF  }
0xe: {  	s17 =	sld [smem:$0x11];
	(tm) =	ssettm $0x1  }
0xf: {  	s18 =	sld [smem:$0x3FFB];
	_ =	sdelay $0x3  }
0x10: {  	_ =	strace s18  }
0x11: {  	s3 =	sld [smem:$0x3FFC];
	_ =	sdelay $0x3  }
0x12: {  	_ =	strace s3  }
0x13: {  	s3 =	sld [smem:$0x3FFD];
	_ =	sdelay $0x3  }
0x14: {  	_ =	strace s3  }
0x15: {  	_ =	strace $0x8FFFFFFF  }
0x16: {  	s19 =	sld [smem:$0x3FDB];
	_ =	sdelay $0x1  }
0x17: {  	s20 =	simm.s32 $_scs_section_size  }
0x18: {  	s5 =	simm.s32 $_size__tile_overlayer_lowered;
	s6 =	simm.s32 $_tile_overlayer_lowered  }
0x19: {  	s23 =	simm.s32 $0x1BFF;
	s22 =	sshll.u32 s6, $0x1;
	s3 =	sadd.s32 s20, s19  }
0x1a: {  	s7 =	simm.s32 $0x0;
	s21 =	sshll.u32 s5, $0x1;
	s5 =	sadd.s32 s22, s3  }
0x1b: {  	[timem:s7], [sflag:s23] =	dma.local [hbm:s5], s21  }
0x1c: {  	_ =	swait.ge [sflag:s23], s21  }
0x1d: {  	s4 =	ssub.s32 $0x0, s21;
	[sflag:s23] =	ssyncset.done $0x0  }
0x1e: {  	[sflag:s23] =	ssyncadd.s32 s4;
	_ =	sdelay $0x1  }
0x1f: {  	s24 =	simm.s32 $0x1B8B  }
0x20: {  	_ =	swait.ge [sflag:s24], $0x1  }
0x21: {  	[sflag:s24] =	ssyncset.done $0x0  }
0x22: {  	s26 =	simm.s32 $0x1B8E;
	s25 =	sld [smem:$0x3FFE];
	[sflag:s24] =	ssyncadd.s32 $0xFFFFFFFF  }
0x23: {  	s27 =	simm.s32 $execute0_lowered;
	[smem:$0x3FD2] =	sst s26  }
0x24: {  	s5 =	sshll.u32 s27, $0x1;
	_ =	strace $0x80000046;
	[dreg:$0x1] =	wrdreg $0xFFFFFFFF  }
0x25: {  	s28 =	simm.s32 $_size_execute0_lowered;
	s3 =	sadd.s32 s3, s5;
	[dreg:$0x0] =	wrdreg $0x0  }
0x26: {  	s5 =	sshll.u32 s28, $0x1;
	[dreg:$0x2] =	wrdreg s3  }
0x27: {  	[dreg:$0x3] =	wrdreg s5  }
0x28: {  	[dreg:$0x4] =	wrdreg $0xC0  }
0x29: {  	_ =	task [dreg:s7], $0x5FFFF  }
0x2a: {  	[dreg:$0x1] =	wrdreg $0xFFFFFFFF  }
0x2b: {  	[dreg:$0x0] =	wrdreg $0x60  }
0x2c: {  	[dreg:$0x2] =	wrdreg s25  }
0x2d: {  	[dreg:$0x3] =	wrdreg s17  }
0x2e: {  	[dreg:$0x4] =	wrdreg $0x9  }
0x2f: {  	_ =	task.clear_ibuf [dreg:s7], $0x5FFFF;
	_ =	strace $0x90000046  }
0x30: {  	s29 =	simm.s32 $0x9;
	_ =	strace $0x80000048  }
0x31: {  	_ =	swait.ge [sflag:s29], $0x1  }
0x32: {  	[sflag:s29] =	ssyncadd.s32 $0xFFFFFFFF  }
0x33: {  	_ =	strace $0x90000048  }
0x34: {  	_ =	sfence  }
0x35: {  	s30 =	sld [smem:$0x0];
	_ =	sdelay $0x2  }
0x36: {  	s31 =	sshll.u32 s1, $0xD;
	s1 =	sshrl.u32 s1, $0x2  }
0x37: {  	s3 =	sand.u32 $0x4000, s31;
	s1 =	sadd.s32 s1, s30  }
0x38: {  	s0 =	sor.u32 s3, s0;
	s1 =	sshll.u32 s1, $0x11  }
0x39: {  	s0 =	sor.u32 s1, s0  }
0x3a: {  	s0 =	sadd.s32 $0x8F2B, s0  }
0x3b: {  	[sflag:s0] =	ssyncadd.remote.s32 $0x1  }
0x3c: {  	_ =	sfence.sel $0xFFFF  }
0x3d: {  	[dreg:$0x0] =	wrdreg $0xFFFFFFFF;
	(pc) =	sbr.abs _section_cstart, $3  }
0x3e: {  	[dreg:$0x1] =	wrdreg $0xFFFFFFFF  }
0x3f: {  	_ =	task.clear_ibuf [dreg:s7], $0x2FFFF;
	_ =	strace $0x9FFFFFFF  }
0x40: {  	(tm) =	ssettm $0x7FFFFFFF  }
0x41: {  	_ =	shalt  }
tec
execute0_lowered:
.L_overlay_start_1:
0x0: {  	(tag) =	ssettag $0x1  }
0x1: {  	s0 =	srdreg.scid;
	s5 =	rddreg [dreg:$0x0]  }
0x2: {  	s2 =	rddreg [dreg:$0x1];
	s1 =	stileid.u32;
	s4 =	simm.s32 $0x1  }
0x3: {  	s31 =	simm.s32 $0x2;
	s9 =	simm.s32 $0x0;
	s0 =	sshll.u32 s0, $0x4  }
.Ltmp0:
0x4: {  	p0 =	por $0x0, $0x0;
	s3 =	sand.u32 $0x10, s0;
	(pc) =	sbr.rel .LBB1_1-.Ltmp0, $4  }
0x5: {  	s10 =	simm.s32 $0x0;
	s8 =	simm.s32 $0x0;
	s3 =	sor.u32 s1, s3  }
0x6: {  	s0 =	rddreg [dreg:$0x2];
	_ =	strace $0x80000047;
	s6 =	sshll.u32 s3, $0x4  }
0x7: {  	s7 =	simm.s32 $0x0;
	[sflag:s4] =	ssyncpa.u1 $0x0;
	s5 =	sadd.s32 s6, s5  }
0x8: {  	[sflag:s31] =	ssyncpa.u1 $0x0;
	s6 =	simm.s32 $0x13C00;
	s5 =	sadd.s32 $0x4FA00, s5  }
.LBB1_5:
0x9: {  	s11 =	sadd.s32 $0x80, s8  }
0xa: {  	p1 =	slt.u32 s7, $0x2;
	s7 =	sadd.s32 $0x1, s7;
	p2 =	sgt.s32 s11, $0x270F  }
0xb: {  	s11 =	simm.s32 @p2 $0x0;
	p2 =	sne.s32 s7, $0x51  }
.Ltmp1:
0xc: {  	_ = 	snop;
	(pc) =	sbr.rel @!p2 .LBB1_6-.Ltmp1, $4  }
0xd: {  	s9 =	simm.s32 @!p1 $0x2  }
0xe: {  	_ =	swait.ge @!p1 [sflag:s9], $0x1000  }
0xf: {  	s10 =	smov.u32 s8;
	p0 =	por !p0, !p0;
	[sflag:s9] =	ssyncset.done @!p1 $0x0  }
0x10: {  	s8 =	smov.u32 s11;
	[sflag:s9] =	ssyncadd.s32 @!p1 $0xFFFFF000;
	s9 =	smov.u32 s3  }
.LBB1_1:
0x11: {  	p1 =	sgt.u32 s7, $0x4E  }
0x12: {  	p2 =	sgt.s32 @!p1 s8, $0x2690  }
0x13: {  	s11 =	smov.u32 s8;
	s12 =	sshra.s32 @!p1 s8, $0x1F;
	p2 =	por !p2, p1  }
0x14: {  	s12 =	sand.u32 @!p1 s12, s8;
	s11 =	simm.s32 @p2 $0x2690  }
0x15: {  	s11 =	ssub.s32 @!p1 s11, s12  }
0x16: {  	s13 =	sxor.u32 @!p1 $0xFFFFFFFF, s7;
	s11 =	sadd.s32 @!p1 $0xFFFFD970, s11  }
0x17: {  	s14 =	simm.s32 @!p1 $0x20;
	s15 =	simm.s32 @!p1 $0x1000;
	s12 =	sshll.u32 @!p1 s11, $0x5  }
0x18: {  	p2 =	sgt.s32 @!p1 s11, $0x7F;
	s11 =	ssub.s32 @!p1 $0x1000, s12;
	s12 =	sshll.u32 @!p1 s13, $0xC  }
0x19: {  	p2 =	por !p2, p1;
	s13 =	sshll.u32 @!p1 s8, $0x9;
	s11 =	sand.u32 @!p1 $0x3FFFFFE0, s11  }
0x1a: {  	s12 =	sand.u32 @!p1 $0x1000, s12;
	s13 =	sadd.s32 @!p1 s13, s5;
	s11 =	simm.s32 @!p2 $0x0  }
0x1b: {  	[tilespmem:s12], [sflag:$0x1] =	stream.strided.gather @!p1 [hbm4b:s13+s14], s11, s15, s14, $0x38;
	[tilespmem:$0x4040] =	vst v63  }
0x1c: {  	p1 =	seq.s32 s7, $0x0  }
0x1d: {  	p2 =	seq.s32 @!p1 s7, $0x50  }
0x1e: {  	p1 =	por p1, p2  }
.Ltmp2:
0x1f: {  	_ = 	snop;
	(pc) =	sbr.rel @p1 .LBB1_5-.Ltmp2, $1  }
0x20: {  	_ =	sdelay $0x3  }
0x21: {  	p1 =	sgt.s32 s10, $0x2690;
	s11 =	smov.u32 s10;
	s12 =	sshra.s32 s10, $0x1F  }
0x22: {  	s11 =	simm.s32 @!p1 $0x2690;
	s12 =	sand.u32 s12, s10  }
0x23: {  	s11 =	ssub.s32 s11, s12  }
0x24: {  	s11 =	sadd.s32 $0xFFFFD970, s11  }
0x25: {  	s28 =	sshll.u32 s11, $0x5  }
0x26: {  	s12 =	ssub.s32 $0x1000, s28  }
0x27: {  	p1 =	sgt.s32 s11, $0x7F;
	s11 =	sand.u32 $0x3FFFFFE0, s12  }
0x28: {  	s12 =	simm.s32 $0x1;
	s11 =	simm.s32 @p1 $0x0  }
0x29: {  	s12 =	simm.s32 @!p0 $0x0;
	_ =	swait.ge [sflag:s4], s11  }
0x2a: {  	s13 =	sshll.u32 s12, $0xC;
	s11 =	ssub.s32 $0x0, s11;
	[sflag:s4] =	ssyncset.done $0x0  }
0x2b: {  	s15 =	sor.u32 $0x10, s13;
	[sflag:s4] =	ssyncadd.s32 s11  }
0x2c: {  	s29 =	smul.u32 $0x4080, s12;
	v1 =	vld [tilespmem:s15+$0x0]  }
0x2d: {  	s30 =	sand.u32 $0x1, s7;
	v0 =	vld [tilespmem:s15+$0xFFFFFFF0]  }
0x2e: {  	s12 =	smul.u32 $0x4080, s30;
	s11 =	sshrl.u32 s29, $0x2  }
0x2f: {  	s13 =	sor.u32 $0x2000, s11  }
0x30: {  	s31 =	sshrl.u32 s12, $0x2;
	s12 =	sadd.s32 $0x0, s13  }
0x31: {  	s14 =	simm.s32 $0x4;
	s11 =	sor.u32 $0x2000, s31;
	s15 =	sadd.s32 $0x20, s15;
	[tilespmem:s12+$0x810 ss:$0x81] =	vst.msk $0xffff, v1  }
.LBB1_3:
0x32: {  	v1 =	vld [tilespmem:s15+$0x0];
	p1 =	sne.s32 s14, $0x1FC;
	[tilespmem:s12+$0x0 ss:$0x81] =	vst.msk $0xffff, v0;
	s12 =	smov.u32 s14;
	s14 =	sadd.s32 $0x4, s14  }
.Ltmp3:
0x33: {  	v0 =	vld [tilespmem:s15+$0xFFFFFFF0];
	(pc) =	sbr.rel @p1 .LBB1_3-.Ltmp3, $4  }
0x34: {  	_ = 	snop  }
0x35: {  	s12 =	sshra.s32 s12, $0x2  }
0x36: {  	s12 =	sadd.s32 s12, s13  }
0x37: {  	s15 =	sadd.s32 $0x20, s15;
	[tilespmem:s12+$0x810 ss:$0x81] =	vst.msk $0xffff, v1  }
0x38: {  	s13 =	sshll.u32 s10, $0x3  }
0x39: {  	s29 =	sand.u32 $0x7F, s10;
	s13 =	sand.u32 $0xFFFFFC00, s13  }
0x3a: {  	s10 =	sor.u32 s29, s13;
	s13 =	smulhi.u32 $0xCF6474A9, s13  }
0x3b: {  	s14 =	smulhi.u32 $0xCF6474A9, s10;
	_ =	sdelay $0x1  }
0x3c: {  	s9 =	smul.u32 $0x9E00, s9;
	s13 =	sshrl.u32 s13, $0xD;
	s14 =	sshrl.u32 s14, $0xD  }
0x3d: {  	s13 =	sand.u32 $0x1F, s13;
	s14 =	smul.u32 $0x2780, s14  }
0x3e: {  	s13 =	smul.u32 $0x4F0, s13  }
.Ltmp4:
0x3f: {  	s10 =	ssub.s32 s10, s14;
	(pc) =	sbr.rel .LBB1_5-.Ltmp4, $4  }
0x40: {  	s9 =	sadd.s32 s2, s9;
	s14 =	sand.u32 $0x7, s10  }
0x41: {  	s9 =	sadd.s32 s13, s9;
	s10 =	sshrl.u32 s10, $0x3;
	s30 =	sshll.u32 s14, $0x12  }
0x42: {  	[tilespmem:s12+$0x0 ss:$0x81] =	vst.msk $0xffff, v0;
	s9 =	sadd.s32 s10, s9;
	s31 =	sor.u32 $0x400, s30  }
0x43: {  	[hbm4b:s9+s31] =	stream.strided.scatter [tilespmem:s11], [sflag:$0x2], $0x1000, s6, s31, $0x20;
	[tilespmem:$0x4040] =	vst v63  }
.LBB1_6:
0x44: {  	_ =	sfence.sel $0x180000  }
0x45: {  	s2 =	simm.s32 $0x1;
	[bflag:$0x0] =	sbarrier.arrive $0xFFFF  }
0x46: {  	s31 =	simm.s32 $0x2;
	[sflag:s2] =	ssyncpa.u1 $0x1  }
0x47: {  	[sflag:s31] =	ssyncpa.u1 $0x1  }
0x48: {  	p0 =	sne.s32 s1, $0x0;
	_ =	strace $0x90000047  }
0x49: {  	s0 =	sadd.s32 @!p0 $0x100000, s0;
	[bflag:$0x2] =	sbarrier.arrive $0xFFFF  }
0x4a: {  	[sflag:s0] =	ssyncadd.tile.s32 @!p0 $0x1;
	_ =	shalt  }
.Lfunc_end1:
_tile_overlayer_lowered:
.L_overlay_start_2:
0x4b: {  	(tag) =	ssettag $0x2  }
0x4c: {  	s0 =	rddreg [dreg:$0x0];
	s2 =	stileid.u32  }
0x4d: {  	s1 =	rddreg [dreg:$0x1];
	p0 =	sne.s32 s2, $0x0  }
0x4e: {  	s3 =	rddreg [dreg:$0x2];
	[bflag:$0x3] =	sbarrier.arrive $0xFFFF;
	s2 =	simm.s32 @!p0 $0x1C01  }
0x4f: {  	[timem:s3], [sflag:s2] =	dma.local @!p0 [hbm:s0], s1  }
0x50: {  	s0 =	simm.s32 @!p0 $0x1  }
0x51: {  	_ =	swait.ge @!p0 [sflag:s0], s1  }
0x52: {  	s1 =	ssub.s32 @!p0 $0x0, s1;
	[sflag:s0] =	ssyncset.done @!p0 $0x0  }
0x53: {  	[sflag:s0] =	ssyncadd.s32 @!p0 s1  }
0x54: {  	[bflag:$0x3] =	sbarrier.arrive $0xFFFF  }
0x55: {  	_ =	shalt  }

</sc_bundles>
